<compile_context>
chip_gen: v7x
topology: tpu7x:2x2x1
jax: 0.10.2.dev20260603
libtpu: 0.0.44.dev20260713+nightly
codegen_flags: <defaults>
</compile_context>

<pallas_src>
import functools

import jax
import jax.numpy as jnp
from jax import lax
from jax.experimental import pallas as pl
from jax.experimental.pallas import tpu as pltpu
from jax.experimental.pallas import tpu_sc as plsc

KNN = 16
_BIG = 3.0e38

_NC, _NS = 2, 16
_NW = _NC * _NS


def _rn_bf16(v):
    u = lax.bitcast_convert_type(v, jnp.int32)
    odd = lax.shift_right_logical(u, 16) & 1
    r = (u + 32767 + odd) & jnp.int32(-65536)
    return lax.bitcast_convert_type(r, jnp.float32)


def _topk_body(xsr_ref, ysr_ref, xsc_ref, ysc_ref, idx_ref, *, n, rows):
    b = pl.program_id(0)
    xr = xsr_ref[0]
    yr = ysr_ref[0]
    xc = xsc_ref[0]
    yc = ysc_ref[0]
    sqr = xr * xr + yr * yr
    sqc = xc * xc + yc * yc
    xrb, yrb, xcb, ycb = _rn_bf16(xr), _rn_bf16(yr), _rn_bf16(xc), _rn_bf16(yc)
    d2 = sqr + sqc - 2.0 * (xrb * xcb + yrb * ycb)

    colidx = lax.broadcasted_iota(jnp.int32, (rows, n), 1)
    lane_k = lax.broadcasted_iota(jnp.int32, (1, KNN), 1)

    def body(k, carry):
        d2c, acc = carry
        m = jnp.min(d2c, axis=1, keepdims=True)
        cand = jnp.where(d2c == m, colidx, n)
        j = jnp.min(cand, axis=1, keepdims=True)
        d2c = jnp.where(colidx == j, _BIG, d2c)
        acc = jnp.where(lane_k == k, j, acc)
        return d2c, acc

    acc0 = jnp.zeros((rows, KNN), jnp.int32)
    _, acc = lax.fori_loop(0, KNN, body, (d2, acc0))
    idx_ref[0] = acc + b * n


def _topk_indices(xsr, ysr, xsc, ysc, *, b, n, rows):
    grid = (b, n // rows)
    return pl.pallas_call(
        functools.partial(_topk_body, n=n, rows=rows),
        grid=grid,
        in_specs=[
            pl.BlockSpec((1, rows, 1), lambda bb, i: (bb, i, 0)),
            pl.BlockSpec((1, rows, 1), lambda bb, i: (bb, i, 0)),
            pl.BlockSpec((1, 1, n), lambda bb, i: (bb, 0, 0)),
            pl.BlockSpec((1, 1, n), lambda bb, i: (bb, 0, 0)),
        ],
        out_specs=pl.BlockSpec((1, rows, KNN), lambda bb, i: (bb, i, 0)),
        out_shape=jax.ShapeDtypeStruct((b, n, KNN), jnp.int32),
    )(xsr, ysr, xsc, ysc)


def _sc_gather(table, flat_idx, *, g, d, chunk=128):
    g_per_w = g // _NW
    mesh = plsc.VectorSubcoreMesh(core_axis_name="c", subcore_axis_name="s")

    @functools.partial(
        pl.kernel,
        mesh=mesh,
        out_type=jax.ShapeDtypeStruct((g, d), jnp.float32),
        scratch_types=[
            pltpu.VMEM((chunk,), jnp.int32),
            pltpu.VMEM((chunk, d), jnp.float32),
            pltpu.SemaphoreType.DMA,
        ],
    )
    def gather_kernel(tab_hbm, idx_hbm, out_hbm, idx_v, rows_v, sem):
        wid = lax.axis_index("s") * _NC + lax.axis_index("c")

        def body(i, carry):
            base = wid * g_per_w + i * chunk
            pltpu.sync_copy(idx_hbm.at[pl.ds(base, chunk)], idx_v)
            pltpu.async_copy(tab_hbm.at[idx_v], rows_v, sem).wait()
            pltpu.sync_copy(rows_v, out_hbm.at[pl.ds(base, chunk)])
            return carry

        lax.fori_loop(0, g_per_w // chunk, body, 0)

    return gather_kernel(table, flat_idx)


def _mlp_body(g_ref, own_ref, w_ref, out_ref):
    xr = own_ref[:, 0:1]
    yr = own_ref[:, 1:2]
    px = g_ref[:, 64:65]
    py = g_ref[:, 65:66]
    f = g_ref[:, 0:64]
    dx = xr - px
    dy = yr - py
    nrm = jnp.sqrt(dx * dx + dy * dy + 1e-12)
    wa = w_ref[0:1, :]
    wb = w_ref[1:2, :]
    wc = w_ref[2:3, :]
    wd = w_ref[3:4, :]
    we = w_ref[4:5, :]
    bias = w_ref[5:6, :]
    r = xr * wa + yr * wb + px * wc + py * wd + nrm * we + bias
    r = jnp.maximum(r, 0.0)
    out_ref[...] = jnp.concatenate([f, r], axis=1)


def _mlp(g2, own_exp, wpack, *, m, rows):
    grid = (m // rows,)
    return pl.pallas_call(
        _mlp_body,
        grid=grid,
        in_specs=[
            pl.BlockSpec((rows, 128), lambda i: (i, 0)),
            pl.BlockSpec((rows, 2), lambda i: (i, 0)),
            pl.BlockSpec((8, 64), lambda i: (0, 0)),
        ],
        out_specs=pl.BlockSpec((rows, 128), lambda i: (i, 0)),
        out_shape=jax.ShapeDtypeStruct((m, 128), jnp.float32),
    )(g2, own_exp, wpack)


def kernel(pc, feats, W, b):
    B, N, dims = pc.shape
    f_dims = feats.shape[-1]
    G = B * N * KNN

    xs = pc[..., 0]
    ys = pc[..., 1]
    xsr = xs[..., None]
    ysr = ys[..., None]
    xsc = xs[:, None, :]
    ysc = ys[:, None, :]

    idx = _topk_indices(xsr, ysr, xsc, ysc, b=B, n=N, rows=512)
    flat_idx = idx.reshape(G)

    pc2 = pc.reshape(B * N, dims)
    table = jnp.concatenate(
        [feats.reshape(B * N, f_dims), pc2,
         jnp.zeros((B * N, 128 - f_dims - dims), jnp.float32)],
        axis=1,
    )

    g = _sc_gather(table, flat_idx, g=G, d=128)

    wpack = jnp.stack(
        [W[0] + W[4], W[1] + W[5], W[2] - W[4], W[3] - W[5], W[6], b,
         jnp.zeros_like(b), jnp.zeros_like(b)],
        axis=0,
    )

    own_exp = jnp.broadcast_to(pc2[:, None, :], (B * N, KNN, dims)).reshape(G, dims)

    out = _mlp(g, own_exp, wpack, m=G, rows=2048)
    return out.reshape(B, N, KNN, 2 * f_dims)

# --- scband reference (transcript-rebuilt; emitter-appended) ---
"""Pipeline reference for scband-loc-se-64707977282331 (READ-ONLY COPY).

The authoritative reference and input builder live on the scoring server;
editing this copy changes nothing except your own understanding.
"""

import jax, jax.numpy as jnp
import numpy as np

K = 16

def _knn_batch(pc, k):
    # pairwise squared distances, per batch: (B, N, N)
    sq = jnp.sum(pc * pc, axis=-1)
    d2 = sq[:, :, None] + sq[:, None, :] - 2.0 * jnp.einsum('bnd,bmd->bnm', pc, pc)
    _, idx = jax.lax.top_k(-d2, k)
    return idx  # (B, N, K)

def _gather_neighbours(x, n_idx):
    # x: (B, N, D), n_idx: (B, N, K) -> (B, N, K, D)
    B, N, Kk = n_idx.shape
    flat = n_idx.reshape(B, -1)
    g = jax.vmap(lambda xb, ib: xb[ib])(x, flat)
    return g.reshape(B, N, Kk, x.shape[-1])

def setup_inputs(seed: int = 0) -> dict:
    key = jax.random.key(seed)
    k1, k2, k3 = jax.random.split(key, 3)
    B, N, dims, f_dims = 4, 4096, 2, 64
    pc = jax.random.normal(k1, (B, N, dims), dtype=jnp.float32)
    feats = jax.random.normal(k2, (B, N, f_dims), dtype=jnp.float32)
    # MLP: Conv1D(n_feat, kernel_size=1) over rppe channels = 3*dims + 1 = 7
    in_ch = 3 * dims + 1
    lim = np.sqrt(6.0 / (in_ch + f_dims))
    W = jax.random.uniform(k3, (in_ch, f_dims), minval=-lim, maxval=lim, dtype=jnp.float32)
    b = jnp.zeros((f_dims,), dtype=jnp.float32)
    return {"pc": pc, "feats": feats, "W": W, "b": b}

def reference(pc, feats, W, b):
    n_idx = _knn_batch(pc, K)                    # (B, N, K)
    n_points = _gather_neighbours(pc, n_idx)     # (B, N, K, dims)
    n_feats = _gather_neighbours(feats, n_idx)   # (B, N, K, f_dims)
    Kpc = jnp.repeat(pc[:, :, None, :], K, axis=2)  # (B, N, K, dims)
    relp = Kpc - n_points
    norms = jnp.sqrt(jnp.sum(relp * relp, axis=-1, keepdims=True) + 1e-12)
    rppe = jnp.concatenate([Kpc, n_points, relp, norms], axis=-1)  # (B, N, K, 7)
    r = jax.nn.relu(jnp.einsum('bnkc,cf->bnkf', rppe, W) + b)       # pointwise MLP
    return jnp.concatenate([n_feats, r], axis=-1)  # (B, N, K, 2*f_dims)

if __name__ == "__main__":
    import jax
    _d = setup_inputs()
    print(jax.jit(kernel)(*tuple(_d.values())))

</pallas_src>

<mosaic_0001>
#map = affine_map<(d0, d1) -> (0, 0)>
#map1 = affine_map<(d0, d1) -> (0)>
module attributes {stable_mosaic.version = 14 : i64} {
  func.func @gather_kernel(%arg0: i32, %arg1: i32, %arg2: memref<16384x128xf32, #tpu.memory_space<hbm>>, %arg3: memref<262144xi32, #tpu.memory_space<hbm>>, %arg4: memref<262144x128xf32, #tpu.memory_space<hbm>>, %arg5: memref<128xi32, #tpu.memory_space<vmem>>, %arg6: memref<128x128xf32, #tpu.memory_space<vmem>>, %arg7: memref<!tpu.dma_semaphore, #tpu.memory_space<semaphore_mem>>) attributes {dimension_semantics = [#tpu.dimension_semantics<core_parallel>, #tpu.dimension_semantics<subcore_parallel>], iteration_bounds = array<i64: 2, 16>, scalar_prefetch = 0 : i64, scratch_operands = 3 : i64, tpu.core_type = #tpu.core_type<sc_vector_subcore>, window_params = [{transform_indices = #map}, {transform_indices = #map1}, {transform_indices = #map}]} {
    %mul3A = arith.constant 2 : i32
    %mul3A_0 = arith.muli %arg1, %mul3A : i32
    %add3A = arith.addi %mul3A_0, %arg0 : i32
    %scan3A = arith.constant 0 : i32
    %scan3A_1 = arith.constant 0 : i32
    %scan3A_2 = arith.constant 64 : i32
    %scan3A_3 = arith.addi %scan3A_1, %scan3A_2 : i32
    %scan3A_4 = arith.constant 1 : i32
    scf.for %scan3A_6 = %scan3A_1 to %scan3A_3 step %scan3A_4  : i32 {
      %mul3A_7 = arith.constant 8192 : i32
      %mul3A_8 = arith.muli %add3A, %mul3A_7 : i32
      %mul3A_9 = arith.constant 128 : i32
      %mul3A_10 = arith.muli %scan3A_6, %mul3A_9 : i32
      %add3A_11 = arith.addi %mul3A_8, %mul3A_10 : i32
      "tpu.region"() ({
        %run_scoped3A = tpu.sem_alloc : memref<!tpu.dma_semaphore, #tpu.memory_space<semaphore_mem>>
        %dma_start3A_16 = tpu.memref_slice %arg3[%add3A_11] : memref<262144xi32, #tpu.memory_space<hbm>> -> memref<128xi32, #tpu.memory_space<hbm>>
        %dma_start3A_17 = tpu.memref_slice %arg3[%add3A_11] : memref<262144xi32, #tpu.memory_space<hbm>> -> memref<128xi32, #tpu.memory_space<hbm>>
        tpu.enqueue_dma source(%dma_start3A_17 : memref<128xi32, #tpu.memory_space<hbm>>) target(%arg5 : memref<128xi32, #tpu.memory_space<vmem>>) target_semaphore(%run_scoped3A : memref<!tpu.dma_semaphore, #tpu.memory_space<semaphore_mem>>)
        %dma_wait3A_18 = tpu.memref_slice %arg3[%add3A_11] : memref<262144xi32, #tpu.memory_space<hbm>> -> memref<128xi32, #tpu.memory_space<hbm>>
        %dma_wait3A_19 = tpu.memref_slice %arg3[%add3A_11] : memref<262144xi32, #tpu.memory_space<hbm>> -> memref<128xi32, #tpu.memory_space<hbm>>
        tpu.wait_dma2 semaphore(%run_scoped3A : memref<!tpu.dma_semaphore, #tpu.memory_space<semaphore_mem>>) src(%dma_wait3A_19 : memref<128xi32, #tpu.memory_space<hbm>>) dst(%arg5 : memref<128xi32, #tpu.memory_space<vmem>>)
        tpu.yield
      }) : () -> ()
      %dma_start3A = arith.constant 0 : i32
      %dma_start3A_12 = arith.constant 0 : i32
      %dma_start3A_13 = tpu.memref_slice %arg2[%dma_start3A, %dma_start3A_12] : memref<16384x128xf32, #tpu.memory_space<hbm>> -> memref<16384x128xf32, #tpu.memory_space<hbm>>
      tpu.enqueue_indirect_dma source(%dma_start3A_13 : memref<16384x128xf32, #tpu.memory_space<hbm>>) target(%arg6 : memref<128x128xf32, #tpu.memory_space<vmem>>) offsets(%arg5 : memref<128xi32, #tpu.memory_space<vmem>>) semaphore(%arg7 : memref<!tpu.dma_semaphore, #tpu.memory_space<semaphore_mem>>)
      %dma_wait3A = arith.constant 0 : i32
      %dma_wait3A_14 = arith.constant 0 : i32
      %dma_wait3A_15 = tpu.memref_slice %arg2[%dma_wait3A, %dma_wait3A_14] : memref<16384x128xf32, #tpu.memory_space<hbm>> -> memref<16384x128xf32, #tpu.memory_space<hbm>>
      tpu.wait_indirect_dma semaphore(%arg7 : memref<!tpu.dma_semaphore, #tpu.memory_space<semaphore_mem>>) src(%dma_wait3A_15 : memref<16384x128xf32, #tpu.memory_space<hbm>>) dst(%arg6 : memref<128x128xf32, #tpu.memory_space<vmem>>)
      "tpu.region"() ({
        %run_scoped3A = tpu.sem_alloc : memref<!tpu.dma_semaphore, #tpu.memory_space<semaphore_mem>>
        %dma_start3A_16 = arith.constant 0 : i32
        %dma_start3A_17 = tpu.memref_slice %arg4[%add3A_11, %dma_start3A_16] : memref<262144x128xf32, #tpu.memory_space<hbm>> -> memref<128x128xf32, #tpu.memory_space<hbm>>
        %dma_start3A_18 = arith.constant 0 : i32
        %dma_start3A_19 = tpu.memref_slice %arg4[%add3A_11, %dma_start3A_18] : memref<262144x128xf32, #tpu.memory_space<hbm>> -> memref<128x128xf32, #tpu.memory_space<hbm>>
        tpu.enqueue_dma source(%arg6 : memref<128x128xf32, #tpu.memory_space<vmem>>) target(%dma_start3A_19 : memref<128x128xf32, #tpu.memory_space<hbm>>) target_semaphore(%run_scoped3A : memref<!tpu.dma_semaphore, #tpu.memory_space<semaphore_mem>>)
        %dma_wait3A_20 = arith.constant 0 : i32
        %dma_wait3A_21 = tpu.memref_slice %arg4[%add3A_11, %dma_wait3A_20] : memref<262144x128xf32, #tpu.memory_space<hbm>> -> memref<128x128xf32, #tpu.memory_space<hbm>>
        %dma_wait3A_22 = arith.constant 0 : i32
        %dma_wait3A_23 = tpu.memref_slice %arg4[%add3A_11, %dma_wait3A_22] : memref<262144x128xf32, #tpu.memory_space<hbm>> -> memref<128x128xf32, #tpu.memory_space<hbm>>
        tpu.wait_dma2 semaphore(%run_scoped3A : memref<!tpu.dma_semaphore, #tpu.memory_space<semaphore_mem>>) src(%arg6 : memref<128x128xf32, #tpu.memory_space<vmem>>) dst(%dma_wait3A_23 : memref<128x128xf32, #tpu.memory_space<hbm>>)
        tpu.yield
      }) : () -> ()
    }
    %scan3A_5 = arith.constant 64 : i32
    return
  }
}

module attributes {stable_mosaic.version = 14 : i64} {
  func.func @_topk_body(%arg0: i32, %arg1: i32, %arg2: memref<1x512x1xf32, #tpu.memory_space<vmem>>, %arg3: memref<1x512x1xf32, #tpu.memory_space<vmem>>, %arg4: memref<1x1x4096xf32, #tpu.memory_space<vmem>>, %arg5: memref<1x1x4096xf32, #tpu.memory_space<vmem>>, %arg6: memref<1x512x16xi32, #tpu.memory_space<vmem>>) attributes {dimension_semantics = [#tpu.dimension_semantics<arbitrary>, #tpu.dimension_semantics<arbitrary>], iteration_bounds = array<i64: 4, 8>, scalar_prefetch = 0 : i64, scratch_operands = 0 : i64, tpu.core_type = #tpu.core_type<tc>, window_params = [{transform_indices = @transform_0, window_bounds = array<i64: 1, 512, 1>}, {transform_indices = @transform_1, window_bounds = array<i64: 1, 512, 1>}, {transform_indices = @transform_2, window_bounds = array<i64: 1, 1, 4096>}, {transform_indices = @transform_3, window_bounds = array<i64: 1, 1, 4096>}, {transform_indices = @transform_4, window_bounds = array<i64: 1, 512, 16>}]} {
    %get3A = arith.constant 0 : index
    %get3A_0 = arith.constant 0 : index
    %get3A_1 = arith.constant 0 : index
    %get3A_2 = vector.load %arg2[%get3A, %get3A_0, %get3A_1] : memref<1x512x1xf32, #tpu.memory_space<vmem>>, vector<1x512x1xf32>
    %get3A_3 = vector.shape_cast %get3A_2 : vector<1x512x1xf32> to vector<512x1xf32>
    %get3A_4 = arith.constant 0 : index
    %get3A_5 = arith.constant 0 : index
    %get3A_6 = arith.constant 0 : index
    %get3A_7 = vector.load %arg3[%get3A_4, %get3A_5, %get3A_6] : memref<1x512x1xf32, #tpu.memory_space<vmem>>, vector<1x512x1xf32>
    %get3A_8 = vector.shape_cast %get3A_7 : vector<1x512x1xf32> to vector<512x1xf32>
    %get3A_9 = arith.constant 0 : index
    %get3A_10 = arith.constant 0 : index
    %get3A_11 = arith.constant 0 : index
    %get3A_12 = vector.load %arg4[%get3A_9, %get3A_10, %get3A_11] : memref<1x1x4096xf32, #tpu.memory_space<vmem>>, vector<1x1x4096xf32>
    %get3A_13 = vector.shape_cast %get3A_12 : vector<1x1x4096xf32> to vector<1x4096xf32>
    %get3A_14 = arith.constant 0 : index
    %get3A_15 = arith.constant 0 : index
    %get3A_16 = arith.constant 0 : index
    %get3A_17 = vector.load %arg5[%get3A_14, %get3A_15, %get3A_16] : memref<1x1x4096xf32, #tpu.memory_space<vmem>>, vector<1x1x4096xf32>
    %get3A_18 = vector.shape_cast %get3A_17 : vector<1x1x4096xf32> to vector<1x4096xf32>
    %mul3A = arith.mulf %get3A_3, %get3A_3 : vector<512x1xf32>
    %mul3A_19 = arith.mulf %get3A_8, %get3A_8 : vector<512x1xf32>
    %add3A = arith.addf %mul3A, %mul3A_19 : vector<512x1xf32>
    %mul3A_20 = arith.mulf %get3A_13, %get3A_13 : vector<1x4096xf32>
    %mul3A_21 = arith.mulf %get3A_18, %get3A_18 : vector<1x4096xf32>
    %add3A_22 = arith.addf %mul3A_20, %mul3A_21 : vector<1x4096xf32>
    %bitcast_convert_type3A = tpu.bitcast %get3A_3 : vector<512x1xf32> -> vector<512x1xi32>
    %shift_right_logical3A = arith.constant 16 : i32
    %shift_right_logical3A_23 = vector.broadcast %shift_right_logical3A : i32 to vector<512x1xi32>
    %shift_right_logical3A_24 = arith.shrui %bitcast_convert_type3A, %shift_right_logical3A_23 : vector<512x1xi32>
    %and3A = arith.constant 1 : i32
    %and3A_25 = vector.broadcast %and3A : i32 to vector<512x1xi32>
    %and3A_26 = arith.andi %shift_right_logical3A_24, %and3A_25 : vector<512x1xi32>
    %add3A_27 = arith.constant 32767 : i32
    %add3A_28 = vector.broadcast %add3A_27 : i32 to vector<512x1xi32>
    %add3A_29 = arith.addi %bitcast_convert_type3A, %add3A_28 : vector<512x1xi32>
    %add3A_30 = arith.addi %add3A_29, %and3A_26 : vector<512x1xi32>
    %and3A_31 = arith.constant -65536 : i32
    %and3A_32 = vector.broadcast %and3A_31 : i32 to vector<512x1xi32>
    %and3A_33 = arith.andi %add3A_30, %and3A_32 : vector<512x1xi32>
    %bitcast_convert_type3A_34 = tpu.bitcast %and3A_33 : vector<512x1xi32> -> vector<512x1xf32>
    %bitcast_convert_type3A_35 = tpu.bitcast %get3A_8 : vector<512x1xf32> -> vector<512x1xi32>
    %shift_right_logical3A_36 = arith.constant 16 : i32
    %shift_right_logical3A_37 = vector.broadcast %shift_right_logical3A_36 : i32 to vector<512x1xi32>
    %shift_right_logical3A_38 = arith.shrui %bitcast_convert_type3A_35, %shift_right_logical3A_37 : vector<512x1xi32>
    %and3A_39 = arith.constant 1 : i32
    %and3A_40 = vector.broadcast %and3A_39 : i32 to vector<512x1xi32>
    %and3A_41 = arith.andi %shift_right_logical3A_38, %and3A_40 : vector<512x1xi32>
    %add3A_42 = arith.constant 32767 : i32
    %add3A_43 = vector.broadcast %add3A_42 : i32 to vector<512x1xi32>
    %add3A_44 = arith.addi %bitcast_convert_type3A_35, %add3A_43 : vector<512x1xi32>
    %add3A_45 = arith.addi %add3A_44, %and3A_41 : vector<512x1xi32>
    %and3A_46 = arith.constant -65536 : i32
    %and3A_47 = vector.broadcast %and3A_46 : i32 to vector<512x1xi32>
    %and3A_48 = arith.andi %add3A_45, %and3A_47 : vector<512x1xi32>
    %bitcast_convert_type3A_49 = tpu.bitcast %and3A_48 : vector<512x1xi32> -> vector<512x1xf32>
    %bitcast_convert_type3A_50 = tpu.bitcast %get3A_13 : vector<1x4096xf32> -> vector<1x4096xi32>
    %shift_right_logical3A_51 = arith.constant 16 : i32
    %shift_right_logical3A_52 = vector.broadcast %shift_right_logical3A_51 : i32 to vector<1x4096xi32>
    %shift_right_logical3A_53 = arith.shrui %bitcast_convert_type3A_50, %shift_right_logical3A_52 : vector<1x4096xi32>
    %and3A_54 = arith.constant 1 : i32
    %and3A_55 = vector.broadcast %and3A_54 : i32 to vector<1x4096xi32>
    %and3A_56 = arith.andi %shift_right_logical3A_53, %and3A_55 : vector<1x4096xi32>
    %add3A_57 = arith.constant 32767 : i32
    %add3A_58 = vector.broadcast %add3A_57 : i32 to vector<1x4096xi32>
    %add3A_59 = arith.addi %bitcast_convert_type3A_50, %add3A_58 : vector<1x4096xi32>
    %add3A_60 = arith.addi %add3A_59, %and3A_56 : vector<1x4096xi32>
    %and3A_61 = arith.constant -65536 : i32
    %and3A_62 = vector.broadcast %and3A_61 : i32 to vector<1x4096xi32>
    %and3A_63 = arith.andi %add3A_60, %and3A_62 : vector<1x4096xi32>
    %bitcast_convert_type3A_64 = tpu.bitcast %and3A_63 : vector<1x4096xi32> -> vector<1x4096xf32>
    %bitcast_convert_type3A_65 = tpu.bitcast %get3A_18 : vector<1x4096xf32> -> vector<1x4096xi32>
    %shift_right_logical3A_66 = arith.constant 16 : i32
    %shift_right_logical3A_67 = vector.broadcast %shift_right_logical3A_66 : i32 to vector<1x4096xi32>
    %shift_right_logical3A_68 = arith.shrui %bitcast_convert_type3A_65, %shift_right_logical3A_67 : vector<1x4096xi32>
    %and3A_69 = arith.constant 1 : i32
    %and3A_70 = vector.broadcast %and3A_69 : i32 to vector<1x4096xi32>
    %and3A_71 = arith.andi %shift_right_logical3A_68, %and3A_70 : vector<1x4096xi32>
    %add3A_72 = arith.constant 32767 : i32
    %add3A_73 = vector.broadcast %add3A_72 : i32 to vector<1x4096xi32>
    %add3A_74 = arith.addi %bitcast_convert_type3A_65, %add3A_73 : vector<1x4096xi32>
    %add3A_75 = arith.addi %add3A_74, %and3A_71 : vector<1x4096xi32>
    %and3A_76 = arith.constant -65536 : i32
    %and3A_77 = vector.broadcast %and3A_76 : i32 to vector<1x4096xi32>
    %and3A_78 = arith.andi %add3A_75, %and3A_77 : vector<1x4096xi32>
    %bitcast_convert_type3A_79 = tpu.bitcast %and3A_78 : vector<1x4096xi32> -> vector<1x4096xf32>
    %add3A_80 = vector.broadcast %add3A : vector<512x1xf32> to vector<512x4096xf32>
    %add3A_81 = vector.broadcast %add3A_22 : vector<1x4096xf32> to vector<512x4096xf32>
    %add3A_82 = arith.addf %add3A_80, %add3A_81 : vector<512x4096xf32>
    %mul3A_83 = vector.broadcast %bitcast_convert_type3A_34 : vector<512x1xf32> to vector<512x4096xf32>
    %mul3A_84 = vector.broadcast %bitcast_convert_type3A_64 : vector<1x4096xf32> to vector<512x4096xf32>
    %mul3A_85 = arith.mulf %mul3A_83, %mul3A_84 : vector<512x4096xf32>
    %mul3A_86 = vector.broadcast %bitcast_convert_type3A_49 : vector<512x1xf32> to vector<512x4096xf32>
    %mul3A_87 = vector.broadcast %bitcast_convert_type3A_79 : vector<1x4096xf32> to vector<512x4096xf32>
    %mul3A_88 = arith.mulf %mul3A_86, %mul3A_87 : vector<512x4096xf32>
    %add3A_89 = arith.addf %mul3A_85, %mul3A_88 : vector<512x4096xf32>
    %mul3A_90 = arith.constant 2.000000e+00 : f32
    %mul3A_91 = vector.broadcast %mul3A_90 : f32 to vector<512x4096xf32>
    %mul3A_92 = arith.mulf %mul3A_91, %add3A_89 : vector<512x4096xf32>
    %sub3A = arith.subf %add3A_82, %mul3A_92 : vector<512x4096xf32>
    %iota3A = tpu.iota {dimensions = array<i32: 1>} : vector<512x4096xi32>
    %iota3A_93 = tpu.iota {dimensions = array<i32: 1>} : vector<1x16xi32>
    %broadcast_in_dim3A = arith.constant 0 : i32
    %broadcast_in_dim3A_94 = vector.broadcast %broadcast_in_dim3A : i32 to vector<512x16xi32>
    %scan3A = arith.constant 0 : i32
    %scan3A_95 = arith.constant 16 : i32
    %scan3A_96 = arith.addi %scan3A, %scan3A_95 : i32
    %scan3A_97 = arith.constant 1 : i32
    %scan3A_98:2 = scf.for %scan3A_109 = %scan3A to %scan3A_96 step %scan3A_97 iter_args(%scan3A_110 = %sub3A, %scan3A_111 = %broadcast_in_dim3A_94) -> (vector<512x4096xf32>, vector<512x16xi32>)  : i32 {
      %reduce_min3A = arith.constant dense<0x7F800000> : vector<512xf32>
      %reduce_min3A_112 = vector.multi_reduction <minimumf>, %scan3A_110, %reduce_min3A [1] : vector<512x4096xf32> to vector<512xf32>
      %broadcast_in_dim3A_113 = vector.shape_cast %reduce_min3A_112 : vector<512xf32> to vector<512x1xf32>
      %eq3A = vector.broadcast %broadcast_in_dim3A_113 : vector<512x1xf32> to vector<512x4096xf32>
      %eq3A_114 = arith.cmpf oeq, %scan3A_110, %eq3A : vector<512x4096xf32>
      %jit3A = arith.constant 4096 : i32
      %broadcast_in_dim3A_115 = vector.broadcast %jit3A : i32 to vector<512x4096xi32>
      %select_n3A = arith.select %eq3A_114, %iota3A, %broadcast_in_dim3A_115 : vector<512x4096xi1>, vector<512x4096xi32>
      %reduce_min3A_116 = arith.constant dense<2147483647> : vector<512xi32>
      %reduce_min3A_117 = vector.multi_reduction <minsi>, %select_n3A, %reduce_min3A_116 [1] : vector<512x4096xi32> to vector<512xi32>
      %broadcast_in_dim3A_118 = vector.shape_cast %reduce_min3A_117 : vector<512xi32> to vector<512x1xi32>
      %eq3A_119 = vector.broadcast %broadcast_in_dim3A_118 : vector<512x1xi32> to vector<512x4096xi32>
      %eq3A_120 = arith.cmpi eq, %iota3A, %eq3A_119 : vector<512x4096xi32>
      %jit3A_121 = arith.constant 3.000000e+38 : f32
      %broadcast_in_dim3A_122 = vector.broadcast %jit3A_121 : f32 to vector<512x4096xf32>
      %select_n3A_123 = arith.select %eq3A_120, %broadcast_in_dim3A_122, %scan3A_110 : vector<512x4096xi1>, vector<512x4096xf32>
      %eq3A_124 = vector.broadcast %scan3A_109 : i32 to vector<1x16xi32>
      %eq3A_125 = arith.cmpi eq, %iota3A_93, %eq3A_124 : vector<1x16xi32>
      %broadcast_in_dim3A_126 = vector.shape_cast %eq3A_125 : vector<1x16xi1> to vector<1x16xi1>
      %broadcast_in_dim3A_127 = vector.broadcast %broadcast_in_dim3A_126 : vector<1x16xi1> to vector<512x16xi1>
      %broadcast_in_dim3A_128 = vector.shape_cast %broadcast_in_dim3A_118 : vector<512x1xi32> to vector<512x1xi32>
      %broadcast_in_dim3A_129 = vector.broadcast %broadcast_in_dim3A_128 : vector<512x1xi32> to vector<512x16xi32>
      %select_n3A_130 = arith.select %broadcast_in_dim3A_127, %broadcast_in_dim3A_129, %scan3A_111 : vector<512x16xi1>, vector<512x16xi32>
      scf.yield %select_n3A_123, %select_n3A_130 : vector<512x4096xf32>, vector<512x16xi32>
    }
    %scan3A_99 = arith.constant 16 : i32
    %mul3A_100 = arith.constant 4096 : i32
    %mul3A_101 = arith.muli %arg0, %mul3A_100 : i32
    %add3A_102 = vector.broadcast %mul3A_101 : i32 to vector<512x16xi32>
    %add3A_103 = arith.addi %scan3A_98#1, %add3A_102 : vector<512x16xi32>
    %swap3A = arith.constant 0 : index
    %swap3A_104 = arith.constant 0 : index
    %swap3A_105 = arith.constant 0 : index
    %swap3A_106 = vector.load %arg6[%swap3A, %swap3A_104, %swap3A_105] : memref<1x512x16xi32, #tpu.memory_space<vmem>>, vector<1x512x16xi32>
    %swap3A_107 = vector.shape_cast %swap3A_106 : vector<1x512x16xi32> to vector<512x16xi32>
    %swap3A_108 = vector.shape_cast %add3A_103 : vector<512x16xi32> to vector<1x512x16xi32>
    tpu.vector_store %arg6[%swap3A, %swap3A_104, %swap3A_105], %swap3A_108 {strides = array<i32>} : memref<1x512x16xi32, #tpu.memory_space<vmem>>, vector<1x512x16xi32>,
    return
  }
  func.func @transform_0(%arg0: i32, %arg1: i32) -> (i32, i32, i32) {
    %c0_i32 = arith.constant 0 : i32
    %c0_i32_0 = arith.constant 0 : i32
    return %arg0, %arg1, %c0_i32 : i32, i32, i32
  }
  func.func @transform_1(%arg0: i32, %arg1: i32) -> (i32, i32, i32) {
    %c0_i32 = arith.constant 0 : i32
    %c0_i32_0 = arith.constant 0 : i32
    return %arg0, %arg1, %c0_i32 : i32, i32, i32
  }
  func.func @transform_2(%arg0: i32, %arg1: i32) -> (i32, i32, i32) {
    %c0_i32 = arith.constant 0 : i32
    %c0_i32_0 = arith.constant 0 : i32
    %c0_i32_1 = arith.constant 0 : i32
    return %arg0, %c0_i32, %c0_i32_0 : i32, i32, i32
  }
  func.func @transform_3(%arg0: i32, %arg1: i32) -> (i32, i32, i32) {
    %c0_i32 = arith.constant 0 : i32
    %c0_i32_0 = arith.constant 0 : i32
    %c0_i32_1 = arith.constant 0 : i32
    return %arg0, %c0_i32, %c0_i32_0 : i32, i32, i32
  }
  func.func @transform_4(%arg0: i32, %arg1: i32) -> (i32, i32, i32) {
    %c0_i32 = arith.constant 0 : i32
    %c0_i32_0 = arith.constant 0 : i32
    return %arg0, %arg1, %c0_i32 : i32, i32, i32
  }
}

module attributes {stable_mosaic.version = 14 : i64} {
  func.func @_mlp_body(%arg0: i32, %arg1: memref<2048x128xf32, #tpu.memory_space<vmem>>, %arg2: memref<2048x2xf32, #tpu.memory_space<vmem>>, %arg3: memref<8x64xf32, #tpu.memory_space<vmem>>, %arg4: memref<2048x128xf32, #tpu.memory_space<vmem>>) attributes {dimension_semantics = [#tpu.dimension_semantics<arbitrary>], iteration_bounds = array<i64: 128>, scalar_prefetch = 0 : i64, scratch_operands = 0 : i64, tpu.core_type = #tpu.core_type<tc>, window_params = [{transform_indices = @transform_0, window_bounds = array<i64: 2048, 128>}, {transform_indices = @transform_1, window_bounds = array<i64: 2048, 2>}, {pipeline_mode = #tpu.pipeline_mode<synchronous>, transform_indices = @transform_2, window_bounds = array<i64: 8, 64>}, {transform_indices = @transform_3, window_bounds = array<i64: 2048, 128>}]} {
    %get3A = arith.constant 0 : index
    %get3A_0 = arith.constant 0 : index
    %get3A_1 = vector.load %arg2[%get3A, %get3A_0] : memref<2048x2xf32, #tpu.memory_space<vmem>>, vector<2048x1xf32>
    %get3A_2 = arith.constant 0 : index
    %get3A_3 = arith.constant 1 : index
    %get3A_4 = vector.load %arg2[%get3A_2, %get3A_3] : memref<2048x2xf32, #tpu.memory_space<vmem>>, vector<2048x1xf32>
    %get3A_5 = arith.constant 0 : index
    %get3A_6 = arith.constant 64 : index
    %get3A_7 = vector.load %arg1[%get3A_5, %get3A_6] : memref<2048x128xf32, #tpu.memory_space<vmem>>, vector<2048x1xf32>
    %get3A_8 = arith.constant 0 : index
    %get3A_9 = arith.constant 65 : index
    %get3A_10 = vector.load %arg1[%get3A_8, %get3A_9] : memref<2048x128xf32, #tpu.memory_space<vmem>>, vector<2048x1xf32>
    %get3A_11 = arith.constant 0 : index
    %get3A_12 = arith.constant 0 : index
    %get3A_13 = vector.load %arg1[%get3A_11, %get3A_12] : memref<2048x128xf32, #tpu.memory_space<vmem>>, vector<2048x64xf32>
    %sub3A = arith.subf %get3A_1, %get3A_7 : vector<2048x1xf32>
    %sub3A_14 = arith.subf %get3A_4, %get3A_10 : vector<2048x1xf32>
    %mul3A = arith.mulf %sub3A, %sub3A : vector<2048x1xf32>
    %mul3A_15 = arith.mulf %sub3A_14, %sub3A_14 : vector<2048x1xf32>
    %add3A = arith.addf %mul3A, %mul3A_15 : vector<2048x1xf32>
    %add3A_16 = arith.constant 9.99999996E-13 : f32
    %add3A_17 = vector.broadcast %add3A_16 : f32 to vector<2048x1xf32>
    %add3A_18 = arith.addf %add3A, %add3A_17 : vector<2048x1xf32>
    %sqrt3A = math.sqrt %add3A_18 : vector<2048x1xf32>
    %get3A_19 = arith.constant 0 : index
    %get3A_20 = arith.constant 0 : index
    %get3A_21 = vector.load %arg3[%get3A_19, %get3A_20] : memref<8x64xf32, #tpu.memory_space<vmem>>, vector<1x64xf32>
    %get3A_22 = arith.constant 1 : index
    %get3A_23 = arith.constant 0 : index
    %get3A_24 = vector.load %arg3[%get3A_22, %get3A_23] : memref<8x64xf32, #tpu.memory_space<vmem>>, vector<1x64xf32>
    %get3A_25 = arith.constant 2 : index
    %get3A_26 = arith.constant 0 : index
    %get3A_27 = vector.load %arg3[%get3A_25, %get3A_26] : memref<8x64xf32, #tpu.memory_space<vmem>>, vector<1x64xf32>
    %get3A_28 = arith.constant 3 : index
    %get3A_29 = arith.constant 0 : index
    %get3A_30 = vector.load %arg3[%get3A_28, %get3A_29] : memref<8x64xf32, #tpu.memory_space<vmem>>, vector<1x64xf32>
    %get3A_31 = arith.constant 4 : index
    %get3A_32 = arith.constant 0 : index
    %get3A_33 = vector.load %arg3[%get3A_31, %get3A_32] : memref<8x64xf32, #tpu.memory_space<vmem>>, vector<1x64xf32>
    %get3A_34 = arith.constant 5 : index
    %get3A_35 = arith.constant 0 : index
    %get3A_36 = vector.load %arg3[%get3A_34, %get3A_35] : memref<8x64xf32, #tpu.memory_space<vmem>>, vector<1x64xf32>
    %mul3A_37 = vector.broadcast %get3A_1 : vector<2048x1xf32> to vector<2048x64xf32>
    %mul3A_38 = vector.broadcast %get3A_21 : vector<1x64xf32> to vector<2048x64xf32>
    %mul3A_39 = arith.mulf %mul3A_37, %mul3A_38 : vector<2048x64xf32>
    %mul3A_40 = vector.broadcast %get3A_4 : vector<2048x1xf32> to vector<2048x64xf32>
    %mul3A_41 = vector.broadcast %get3A_24 : vector<1x64xf32> to vector<2048x64xf32>
    %mul3A_42 = arith.mulf %mul3A_40, %mul3A_41 : vector<2048x64xf32>
    %add3A_43 = arith.addf %mul3A_39, %mul3A_42 : vector<2048x64xf32>
    %mul3A_44 = vector.broadcast %get3A_7 : vector<2048x1xf32> to vector<2048x64xf32>
    %mul3A_45 = vector.broadcast %get3A_27 : vector<1x64xf32> to vector<2048x64xf32>
    %mul3A_46 = arith.mulf %mul3A_44, %mul3A_45 : vector<2048x64xf32>
    %add3A_47 = arith.addf %add3A_43, %mul3A_46 : vector<2048x64xf32>
    %mul3A_48 = vector.broadcast %get3A_10 : vector<2048x1xf32> to vector<2048x64xf32>
    %mul3A_49 = vector.broadcast %get3A_30 : vector<1x64xf32> to vector<2048x64xf32>
    %mul3A_50 = arith.mulf %mul3A_48, %mul3A_49 : vector<2048x64xf32>
    %add3A_51 = arith.addf %add3A_47, %mul3A_50 : vector<2048x64xf32>
    %mul3A_52 = vector.broadcast %sqrt3A : vector<2048x1xf32> to vector<2048x64xf32>
    %mul3A_53 = vector.broadcast %get3A_33 : vector<1x64xf32> to vector<2048x64xf32>
    %mul3A_54 = arith.mulf %mul3A_52, %mul3A_53 : vector<2048x64xf32>
    %add3A_55 = arith.addf %add3A_51, %mul3A_54 : vector<2048x64xf32>
    %add3A_56 = vector.broadcast %get3A_36 : vector<1x64xf32> to vector<2048x64xf32>
    %add3A_57 = arith.addf %add3A_55, %add3A_56 : vector<2048x64xf32>
    %max3A = arith.constant 0.000000e+00 : f32
    %max3A_58 = vector.broadcast %max3A : f32 to vector<2048x64xf32>
    %max3A_59 = arith.maximumf %add3A_57, %max3A_58 : vector<2048x64xf32>
    %concatenate3A = tpu.concatenate %get3A_13, %max3A_59 in 1 : vector<2048x64xf32>, vector<2048x64xf32> -> vector<2048x128xf32>
    %swap3A = arith.constant 0 : index
    %swap3A_60 = arith.constant 0 : index
    %swap3A_61 = vector.load %arg4[%swap3A, %swap3A_60] : memref<2048x128xf32, #tpu.memory_space<vmem>>, vector<2048x128xf32>
    tpu.vector_store %arg4[%swap3A, %swap3A_60], %concatenate3A {strides = array<i32>} : memref<2048x128xf32, #tpu.memory_space<vmem>>, vector<2048x128xf32>,
    return
  }
  func.func @transform_0(%arg0: i32) -> (i32, i32) {
    %c0_i32 = arith.constant 0 : i32
    %c0_i32_0 = arith.constant 0 : i32
    return %arg0, %c0_i32 : i32, i32
  }
  func.func @transform_1(%arg0: i32) -> (i32, i32) {
    %c0_i32 = arith.constant 0 : i32
    %c0_i32_0 = arith.constant 0 : i32
    return %arg0, %c0_i32 : i32, i32
  }
  func.func @transform_2(%arg0: i32) -> (i32, i32) {
    %c0_i32 = arith.constant 0 : i32
    %c0_i32_0 = arith.constant 0 : i32
    %c0_i32_1 = arith.constant 0 : i32
    return %c0_i32, %c0_i32_0 : i32, i32
  }
  func.func @transform_3(%arg0: i32) -> (i32, i32) {
    %c0_i32 = arith.constant 0 : i32
    %c0_i32_0 = arith.constant 0 : i32
    return %arg0, %c0_i32 : i32, i32
  }
}

</mosaic_0001>

<sc_bundles>
// kernel: kernel.5.cloned.1.call-start
scs
__scs_entry_jumppad:
0x0: {  	(pc) =	sbr.rel $0x88, $3  }
0x1: {  	(tag) =	ssettag $0x0;
	lr =	simm.s32 $0x1  }
0x2: {  	[smem:$0x3F9D] =	sst lr;
	_ =	strace $0xD0000000  }
0x3: {  	_ = 	snop  }
0x4: {  	_ = 	snop  }
0x5: {  	_ = 	snop  }
0x6: {  	_ = 	snop  }
0x7: {  	_ = 	snop  }
__scs_overlays_trampoline_lowered:
0x8: {  	[smem:$0x3FAC] =	sst s0  }
0x9: {  	[smem:$0x3FAD] =	sst s1  }
0xa: {  	[smem:$0x3FAE] =	sst s2  }
0xb: {  	[smem:$0x3FAF] =	sst s3  }
0xc: {  	[smem:$0x3FB0] =	sst s4  }
0xd: {  	[smem:$0x3FB1] =	sst s5  }
0xe: {  	[smem:$0x3FB2] =	sst s6  }
0xf: {  	[smem:$0x3FB3] =	sst s7  }
0x10: {  	[smem:$0x3FB4] =	sst s8  }
0x11: {  	[smem:$0x3FB5] =	sst s9;
	s0 =	simm.s32 @!p0 $0x0  }
0x12: {  	s1 =	sld [smem:$0x3F9B];
	s0 =	simm.s32 @p0 $0x1  }
0x13: {  	[smem:$0x3FB6] =	sst s0;
	s0 =	simm.s32 @!p1 $0x0  }
0x14: {  	s2 =	sld [smem:$0x3F9A];
	s0 =	simm.s32 @p1 $0x1  }
0x15: {  	[smem:$0x3FB7] =	sst s0;
	s0 =	simm.s32 @!p2 $0x0  }
0x16: {  	s3 =	sld [smem:$0x3FDB];
	s0 =	simm.s32 @p2 $0x1  }
0x17: {  	s4 =	simm.s32 $0x1BF5;
	[smem:$0x3FB9] =	sst s0  }
0x18: {  	s0 =	sld [smem:$0x3F9C];
	_ =	swait.ge [sflag:s4], $0x0  }
0x19: {  	s7 =	sld [smem:$0x3F9D]  }
0x1a: {  	s8 =	sadd.s32 $0xFFFFE003, lr  }
0x1b: {  	s9 =	sadd.s32 $0xFFFFFEF7, lr;
	s5 =	simm.s32 $0xFFFFFFFF;
	p2 =	slt.u32 s8, $0xFFFFF086  }
0x1c: {  	p1 =	slt.u32 s9, $0xF7A;
	s5 =	simm.s32 @!p2 $0x0  }
0x1d: {  	s5 =	simm.s32 @p1 $0x1;
	p0 =	seq.s32 s7, s2  }
0x1e: {  	s7 =	smul.u32 @!p0 $0xF7A, s2;
	p2 =	seq.s32 @!p0 s5, $0x0  }
0x1f: {  	s9 =	smul.u32 $0xF7A, s1;
	s8 =	simm.s32 @!p0 $0x1BF5;
	p2 =	por !p2, p0  }
0x20: {  	[sflag:s8] =	ssyncset.s32 @!p0 $0xFFFFF086;
	s6 =	sadd.s32 @!p0 s3, s7;
	s7 =	simm.s32 @!p0 $0x108  }
0x21: {  	s3 =	sadd.s32 s3, s9;
	s6 =	sadd.s32 @!p0 $0x88, s6;
	s7 =	simm.s32 @p2 $0x1082  }
0x22: {  	[simem:s7], [sflag:s8] =	dma.local @!p0 [hbm:s6], $0xF7A  }
0x23: {  	s9 =	sor.u32 $0xD0000000, s2;
	s6 =	simm.s32 $0x108;
	_ =	swait.ge @!p0 [sflag:s8], $0x0  }
0x24: {  	s3 =	sadd.s32 $0x88, s3;
	s6 =	simm.s32 @!p1 $0x1082;
	[sflag:s4] =	ssyncset.s32 $0xFFFFF086  }
0x25: {  	[simem:s6], [sflag:s4] =	dma.local [hbm:s3], $0xF7A  }
0x26: {  	[smem:$0x3F9D] =	sst s1;
	(tag) =	ssettag s2;
	_ =	strace s9  }
0x27: {  	s1 =	sld [smem:$0x3FAD]  }
0x28: {  	s2 =	sld [smem:$0x3FAE]  }
0x29: {  	s4 =	sld [smem:$0x3FB0]  }
0x2a: {  	p0 =	seq.s32 s5, $0x0;
	s5 =	sld [smem:$0x3FB1]  }
0x2b: {  	s6 =	sld [smem:$0x3FB2]  }
0x2c: {  	s7 =	sld [smem:$0x3FB3]  }
0x2d: {  	s3 =	simm.s32 $0x108;
	s8 =	sld [smem:$0x3FB4]  }
0x2e: {  	s3 =	simm.s32 @!p0 $0x1082;
	s9 =	sld [smem:$0x3FB5]  }
0x2f: {  	lr =	sadd.s32 s0, s3;
	s0 =	sld [smem:$0x3FAC]  }
0x30: {  	s3 =	sld [smem:$0x3FAF]  }
0x31: {  	[smem:$0x3FB8] =	sst s10  }
0x32: {  	s10 =	sld [smem:$0x3FB6];
	_ =	sdelay $0x3  }
0x33: {  	p0 =	seq.s32 s10, $0x1;
	s10 =	sld [smem:$0x3FB8];
	_ =	sdelay $0x3  }
0x34: {  	[smem:$0x3FB8] =	sst s10  }
0x35: {  	s10 =	sld [smem:$0x3FB7];
	_ =	sdelay $0x3  }
0x36: {  	p1 =	seq.s32 s10, $0x1;
	s10 =	sld [smem:$0x3FB8];
	_ =	sdelay $0x3  }
0x37: {  	[smem:$0x3FB8] =	sst s10  }
0x38: {  	s10 =	sld [smem:$0x3FB9]  }
0x39: {  	_ = 	snop;
	(pc) =	sbr.ind lr, $3  }
0x3a: {  	_ = 	snop  }
0x3b: {  	_ = 	snop  }
0x3c: {  	p2 =	seq.s32 s10, $0x1;
	s10 =	sld [smem:$0x3FB8]  }
0x3d: {  	_ =	shalt  }
0x3e: {  	_ =	shalt  }
0x3f: {  	_ =	shalt  }
0x40: {  	_ =	shalt  }
0x41: {  	_ =	shalt  }
0x42: {  	_ =	shalt  }
0x43: {  	_ =	shalt  }
0x44: {  	_ =	shalt  }
0x45: {  	_ =	shalt  }
0x46: {  	_ =	shalt  }
0x47: {  	_ =	shalt  }
0x48: {  	_ =	shalt  }
0x49: {  	_ =	shalt  }
0x4a: {  	_ =	shalt  }
0x4b: {  	_ =	shalt  }
0x4c: {  	_ =	shalt  }
0x4d: {  	_ =	shalt  }
0x4e: {  	_ =	shalt  }
0x4f: {  	_ =	shalt  }
0x50: {  	_ =	shalt  }
0x51: {  	_ =	shalt  }
0x52: {  	_ =	shalt  }
0x53: {  	_ =	shalt  }
0x54: {  	_ =	shalt  }
0x55: {  	_ =	shalt  }
0x56: {  	_ =	shalt  }
0x57: {  	_ =	shalt  }
0x58: {  	_ =	shalt  }
0x59: {  	_ =	shalt  }
0x5a: {  	_ =	shalt  }
0x5b: {  	_ =	shalt  }
0x5c: {  	_ =	shalt  }
0x5d: {  	_ =	shalt  }
0x5e: {  	_ =	shalt  }
0x5f: {  	_ =	shalt  }
0x60: {  	_ =	shalt  }
0x61: {  	_ =	shalt  }
0x62: {  	_ =	shalt  }
0x63: {  	_ =	shalt  }
0x64: {  	_ =	shalt  }
0x65: {  	_ =	shalt  }
0x66: {  	_ =	shalt  }
0x67: {  	_ =	shalt  }
0x68: {  	_ =	shalt  }
0x69: {  	_ =	shalt  }
0x6a: {  	_ =	shalt  }
0x6b: {  	_ =	shalt  }
0x6c: {  	_ =	shalt  }
0x6d: {  	_ =	shalt  }
0x6e: {  	_ =	shalt  }
0x6f: {  	_ =	shalt  }
0x70: {  	_ =	shalt  }
0x71: {  	_ =	shalt  }
0x72: {  	_ =	shalt  }
0x73: {  	_ =	shalt  }
0x74: {  	_ =	shalt  }
0x75: {  	_ =	shalt  }
0x76: {  	_ =	shalt  }
0x77: {  	_ =	shalt  }
0x78: {  	_ =	shalt  }
0x79: {  	_ =	shalt  }
0x7a: {  	_ =	shalt  }
0x7b: {  	_ =	shalt  }
0x7c: {  	_ =	shalt  }
0x7d: {  	_ =	shalt  }
0x7e: {  	_ =	shalt  }
0x7f: {  	_ =	shalt  }
0x80: {  	_ =	shalt  }
0x81: {  	_ =	shalt  }
0x82: {  	_ =	shalt  }
0x83: {  	_ =	shalt  }
0x84: {  	_ =	shalt  }
0x85: {  	_ =	shalt  }
0x86: {  	_ =	shalt  }
0x87: {  	_ =	shalt  }
.Lfunc_end0:
.L_simem_size_0:
called_computation_lowered:
.L_overlay_start_0:
0x88: {  	s2 =	sld [smem:$0x3FD9]  }
0x89: {  	s3 =	sld [smem:$0x3FFE];
	_ =	sdelay $0x1  }
0x8a: {  	s1 =	srdreg.scid  }
0x8b: {  	s0 =	sand.u32 $0x1, s1  }
0x8c: {  	s17 =	sshll.u32 s0, $0xA;
	s2 =	sadd.s32 s3, s2  }
0x8d: {  	s2 =	sadd.s32 s2, s17  }
0x8e: {  	[smem:$0x3FC4] =	sst s2  }
0x8f: {  	_ = 	snop  }
0x90: {  	s2 =	sld [smem:$0x3FD0];
	(tm) =	ssettm $0x1  }
0x91: {  	s18 =	sld [smem:$0x3FFB];
	_ =	sdelay $0x3  }
0x92: {  	_ =	strace s18  }
0x93: {  	s3 =	sld [smem:$0x3FFC];
	_ =	sdelay $0x3  }
0x94: {  	_ =	strace s3  }
0x95: {  	s3 =	sld [smem:$0x3FFD];
	_ =	sdelay $0x3  }
0x96: {  	_ =	strace s3  }
0x97: {  	_ =	strace $0x8FFFFFFF  }
0x98: {  	s19 =	sld [smem:$0x3FDB];
	_ =	sdelay $0x1  }
0x99: {  	s4 =	simm.s32 $_scs_section_size  }
0x9a: {  	s5 =	simm.s32 $_size__tile_overlayer_lowered;
	s6 =	simm.s32 $_tile_overlayer_lowered  }
0x9b: {  	s22 =	simm.s32 $0x1BFF;
	s21 =	sshll.u32 s6, $0x1;
	s3 =	sadd.s32 s4, s19  }
0x9c: {  	s7 =	simm.s32 $0x0;
	s20 =	sshll.u32 s5, $0x1;
	s5 =	sadd.s32 s21, s3  }
0x9d: {  	[timem:s7], [sflag:s22] =	dma.local [hbm:s5], s20  }
0x9e: {  	_ =	swait.ge [sflag:s22], s20  }
0x9f: {  	s4 =	ssub.s32 $0x0, s20;
	[sflag:s22] =	ssyncset.done $0x0  }
0xa0: {  	[sflag:s22] =	ssyncadd.s32 s4;
	_ =	sdelay $0x1  }
0xa1: {  	s23 =	simm.s32 $0x1B8B  }
0xa2: {  	_ =	swait.ge [sflag:s23], $0x1  }
0xa3: {  	[sflag:s23] =	ssyncset.done $0x0  }
0xa4: {  	s25 =	simm.s32 $0x1B8E;
	s24 =	sld [smem:$0x3FFE];
	[sflag:s23] =	ssyncadd.s32 $0xFFFFFFFF  }
0xa5: {  	s26 =	simm.s32 $execute0_lowered;
	[smem:$0x3FD2] =	sst s25  }
0xa6: {  	s5 =	sshll.u32 s26, $0x1;
	_ =	strace $0x80000046;
	[dreg:$0x1] =	wrdreg $0xFFFFFFFF  }
0xa7: {  	s28 =	simm.s32 $_size_execute0_lowered;
	s3 =	sadd.s32 s3, s5;
	[dreg:$0x0] =	wrdreg $0x0  }
0xa8: {  	s5 =	sshll.u32 s28, $0x1;
	[dreg:$0x2] =	wrdreg s3  }
0xa9: {  	[dreg:$0x3] =	wrdreg s5  }
0xaa: {  	[dreg:$0x4] =	wrdreg $0xC0  }
0xab: {  	_ =	task [dreg:s7], $0x5FFFF  }
0xac: {  	[dreg:$0x1] =	wrdreg $0xFFFFFFFF  }
0xad: {  	[dreg:$0x0] =	wrdreg $0x60  }
0xae: {  	[dreg:$0x2] =	wrdreg s2  }
0xaf: {  	[dreg:$0x3] =	wrdreg s24  }
0xb0: {  	[dreg:$0x4] =	wrdreg $0x9  }
0xb1: {  	_ =	task.clear_ibuf [dreg:s7], $0x5FFFF;
	_ =	strace $0x90000046  }
0xb2: {  	s29 =	simm.s32 $0x9;
	_ =	strace $0x80000048  }
0xb3: {  	_ =	swait.ge [sflag:s29], $0x1  }
0xb4: {  	[sflag:s29] =	ssyncadd.s32 $0xFFFFFFFF  }
0xb5: {  	_ =	strace $0x90000048  }
0xb6: {  	_ =	sfence  }
0xb7: {  	s30 =	sld [smem:$0x0];
	_ =	sdelay $0x2  }
0xb8: {  	s31 =	sshll.u32 s1, $0xD;
	s1 =	sshrl.u32 s1, $0x2  }
0xb9: {  	s3 =	sand.u32 $0x4000, s31;
	s1 =	sadd.s32 s1, s30  }
0xba: {  	s0 =	sor.u32 s3, s0;
	s1 =	sshll.u32 s1, $0x11  }
0xbb: {  	s0 =	sor.u32 s1, s0  }
0xbc: {  	s0 =	sadd.s32 $0x8F2B, s0  }
0xbd: {  	[sflag:s0] =	ssyncadd.remote.s32 $0x1  }
0xbe: {  	_ =	sfence.sel $0xFFFF  }
0xbf: {  	[dreg:$0x0] =	wrdreg $0xFFFFFFFF;
	(pc) =	sbr.abs _section_cstart, $3  }
0xc0: {  	[dreg:$0x1] =	wrdreg $0xFFFFFFFF  }
0xc1: {  	_ =	task.clear_ibuf [dreg:s7], $0x2FFFF;
	_ =	strace $0x9FFFFFFF  }
0xc2: {  	(tm) =	ssettm $0x7FFFFFFF  }
0xc3: {  	_ =	shalt  }
tec
execute0_lowered:
.L_overlay_start_1:
0x0: {  	(tag) =	ssettag $0x1  }
0x1: {  	s1 =	rddreg [dreg:$0x0]  }
0x2: {  	s4 =	rddreg [dreg:$0x1]  }
0x3: {  	s0 =	rddreg [dreg:$0x2];
	s5 =	srdreg.scid  }
0x4: {  	s3 =	simm.s32 $0x0;
	s2 =	stileid.u32;
	s10 =	simm.s32 $0x0  }
0x5: {  	s5 =	sand.u32 $0x1, s5;
	[smem:$0x7FF] =	sst s3;
	s6 =	sshll.u32 s2, $0xE  }
0x6: {  	s8 =	sshll.u32 s2, $0x12;
	s7 =	sshll.u32 s5, $0xD;
	_ =	strace $0x80000047  }
0x7: {  	s31 =	ssub.s32 $0x2, s5;
	s8 =	sadd.s32 s8, s4;
	s5 =	sshll.u32 s5, $0x11  }
0x8: {  	s6 =	sor.u32 s7, s6;
	s9 =	sshrl.u32 s31, $0x1;
	s5 =	sadd.s32 s5, s8  }
0x9: {  	s8 =	simm.s32 $0x80;
	s6 =	sshrl.u32 s6, $0x3;
	s7 =	ssub.s32 s31, s9  }
0xa: {  	s5 =	sadd.s32 $0x49200, s5;
	s9 =	simm.s32 $0x1;
	s6 =	sadd.s32 s6, s4  }
0xb: {  	s4 =	smax.u32 s7, $0x1;
	s7 =	simm.s32 $0x2;
	s6 =	sadd.s32 $0x41200, s6  }
.LBB2_1:
0xc: {  	s11 =	sadd.s32 $0x0, s6  }
0xd: {  	[tilespmem:s3], [sflag:$0x2] =	stream.linear.gather [hbm4b:s11+s3], $0x80, $0x38;
	[tilespmem:$0x4080] =	vst v63  }
0xe: {  	_ =	swait.ge [sflag:s7], $0x80  }
0xf: {  	[sflag:s7] =	ssyncset.done $0x0  }
0x10: {  	[sflag:s7] =	ssyncadd.s32 $0xFFFFFF80  }
0x11: {  	[tilespmem:s8], [sflag:$0x1] =	stream.indirect.gather [hbm4b:s1+s8], $0x80, s3, s8, $0xb8;
	[tilespmem:$0x4080] =	vst v63  }
0x12: {  	_ =	swait.ge [sflag:s9], $0x4000  }
0x13: {  	[sflag:s9] =	ssyncset.done $0x0  }
0x14: {  	[sflag:s9] =	ssyncadd.s32 $0xFFFFC000  }
0x15: {  	[hbm4b:s5+s3] =	stream.linear.scatter [tilespmem:s8], [sflag:$0x2], $0x4000, $0x38;
	[tilespmem:$0x4080] =	vst v63  }
0x16: {  	s12 =	simm.s32 $0x10;
	_ =	swait.ge [sflag:s7], $0x4000  }
0x17: {  	s13 =	simm.s32 $0x20;
	s11 =	sadd.s32 $0x800, s5;
	[sflag:s7] =	ssyncset.done $0x0  }
.LBB2_2:
0x18: {  	s14 =	sadd.s32 s12, s6  }
0x19: {  	[sflag:s7] =	ssyncadd.s32 $0xFFFFC000;
	s12 =	smov.u32 s13;
	s15 =	sadd.s32 $0x10, s13  }
0x1a: {  	[tilespmem:s3], [sflag:$0x2] =	stream.linear.gather [hbm4b:s14+s3], $0x80, $0x38;
	[tilespmem:$0x4080] =	vst v63  }
0x1b: {  	p0 =	sne.s32 s13, $0x3F0;
	_ =	swait.ge [sflag:s7], $0x80  }
0x1c: {  	[sflag:s7] =	ssyncset.done $0x0  }
0x1d: {  	[sflag:s7] =	ssyncadd.s32 $0xFFFFFF80  }
0x1e: {  	[tilespmem:s8], [sflag:$0x1] =	stream.indirect.gather [hbm4b:s1+s8], $0x80, s3, s8, $0xb8;
	[tilespmem:$0x4080] =	vst v63  }
0x1f: {  	_ =	swait.ge [sflag:s9], $0x4000  }
.Ltmp0:
0x20: {  	[sflag:s9] =	ssyncset.done $0x0;
	(pc) =	sbr.rel @p0 .LBB2_2-.Ltmp0, $4  }
0x21: {  	[sflag:s9] =	ssyncadd.s32 $0xFFFFC000  }
0x22: {  	[hbm4b:s11+s3] =	stream.linear.scatter [tilespmem:s8], [sflag:$0x2], $0x4000, $0x38;
	[tilespmem:$0x4080] =	vst v63  }
0x23: {  	_ =	swait.ge [sflag:s7], $0x4000  }
0x24: {  	s13 =	smov.u32 s15;
	s11 =	sadd.s32 $0x800, s11;
	[sflag:s7] =	ssyncset.done $0x0  }
0x25: {  	s12 =	sadd.s32 s12, s6;
	[sflag:s7] =	ssyncadd.s32 $0xFFFFC000  }
0x26: {  	[tilespmem:s3], [sflag:$0x2] =	stream.linear.gather [hbm4b:s12+s3], $0x80, $0x38;
	[tilespmem:$0x4080] =	vst v63  }
0x27: {  	_ =	swait.ge [sflag:s7], $0x80  }
0x28: {  	[sflag:s7] =	ssyncset.done $0x0  }
0x29: {  	[sflag:s7] =	ssyncadd.s32 $0xFFFFFF80  }
0x2a: {  	[tilespmem:s8], [sflag:$0x1] =	stream.indirect.gather [hbm4b:s1+s8], $0x80, s3, s8, $0xb8;
	[tilespmem:$0x4080] =	vst v63  }
0x2b: {  	s10 =	sadd.s32 $0x1, s10;
	_ =	swait.ge [sflag:s9], $0x4000  }
0x2c: {  	p0 =	sne.s32 s10, s4;
	[sflag:s9] =	ssyncset.done $0x0  }
.Ltmp1:
0x2d: {  	[sflag:s9] =	ssyncadd.s32 $0xFFFFC000;
	(pc) =	sbr.rel @p0 .LBB2_1-.Ltmp1, $4  }
0x2e: {  	[hbm4b:s11+s3] =	stream.linear.scatter [tilespmem:s8], [sflag:$0x2], $0x4000, $0x38;
	[tilespmem:$0x4080] =	vst v63  }
0x2f: {  	_ =	swait.ge [sflag:s7], $0x4000  }
0x30: {  	[sflag:s7] =	ssyncset.done $0x0  }
0x31: {  	[sflag:s7] =	ssyncadd.s32 $0xFFFFC000  }
0x32: {  	_ =	sfence.sel $0x180000  }
0x33: {  	[bflag:$0x0] =	sbarrier.arrive $0xFFFF  }
0x34: {  	p0 =	sne.s32 s2, $0x0;
	_ =	strace $0x90000047  }
0x35: {  	s0 =	sadd.s32 @!p0 $0x100000, s0;
	[bflag:$0x2] =	sbarrier.arrive $0xFFFF  }
0x36: {  	[sflag:s0] =	ssyncadd.tile.s32 @!p0 $0x1;
	_ =	shalt  }
.Lfunc_end2:
_tile_overlayer_lowered:
.L_overlay_start_2:
0x37: {  	(tag) =	ssettag $0x2  }
0x38: {  	s0 =	rddreg [dreg:$0x0];
	s2 =	stileid.u32  }
0x39: {  	s1 =	rddreg [dreg:$0x1];
	p0 =	sne.s32 s2, $0x0  }
0x3a: {  	s3 =	rddreg [dreg:$0x2];
	[bflag:$0x3] =	sbarrier.arrive $0xFFFF;
	s2 =	simm.s32 @!p0 $0x1C02  }
0x3b: {  	[timem:s3], [sflag:s2] =	dma.local @!p0 [hbm:s0], s1  }
0x3c: {  	s0 =	simm.s32 @!p0 $0x2  }
0x3d: {  	_ =	swait.ge @!p0 [sflag:s0], s1  }
0x3e: {  	s1 =	ssub.s32 @!p0 $0x0, s1;
	[sflag:s0] =	ssyncset.done @!p0 $0x0  }
0x3f: {  	[sflag:s0] =	ssyncadd.s32 @!p0 s1  }
0x40: {  	[bflag:$0x3] =	sbarrier.arrive $0xFFFF  }
0x41: {  	_ =	shalt  }

</sc_bundles>
